<compile_context>
chip_gen: v7x
topology: tpu7x:2x2x1
jax: 0.10.2.dev20260603
libtpu: 0.0.44.dev20260713+nightly
codegen_flags: <defaults>
</compile_context>

<pallas_src>
import functools

import jax
import jax.numpy as jnp
from jax import lax
from jax.experimental import pallas as pl
from jax.experimental.pallas import tpu as pltpu
from jax.experimental.pallas import tpu_sc as plsc

LANES = 16


def _body(idx_hbm, out_hbm, idx_v, out_v, sem):
    cid = lax.axis_index("c")
    sid = lax.axis_index("s")

    @pl.when(jnp.logical_and(cid == 0, sid == 0))
    def _():
        pltpu.sync_copy(idx_hbm, idx_v.at[pl.ds(0, 20)])
        out_v[...] = idx_v[pl.ds(0, LANES)].astype(jnp.float32)
        pltpu.sync_copy(out_v, out_hbm)


def kernel(context_embedding, input_path_idxs, table):
    idx = input_path_idxs.astype(jnp.int32)
    mesh = plsc.VectorSubcoreMesh(core_axis_name="c", subcore_axis_name="s",
                                  num_cores=1)
    call = functools.partial(
        pl.kernel,
        out_type=jax.ShapeDtypeStruct((LANES,), jnp.float32),
        mesh=mesh,
        scratch_types=[
            pltpu.VMEM((2 * LANES,), jnp.int32),
            pltpu.VMEM((LANES,), jnp.float32),
            pltpu.SemaphoreType.DMA,
        ],
        compiler_params=pltpu.CompilerParams(
            use_tc_tiling_on_sc=True, needs_layout_passes=False),
    )(_body)
    out = call(idx)
    return out[0]

# --- scband reference (transcript-rebuilt; emitter-appended) ---
"""Pipeline reference for scband-softmax-tree-38036230373596 (READ-ONLY COPY).

The authoritative reference and input builder live on the scoring server;
editing this copy changes nothing except your own understanding.
"""

import jax, jax.numpy as jnp
import numpy as np

NUM_EMBEDDINGS = 1000000
EMBED_SIZE = 32
PATH_LEN = 20


def setup_inputs(seed: int = 0) -> dict:
    key = jax.random.key(seed)
    k1, k2, k3 = jax.random.split(key, 3)
    context_embedding = jax.random.normal(k1, (1, EMBED_SIZE), dtype=jnp.float32)
    input_path_idxs = jax.random.randint(k2, (PATH_LEN,), 0, NUM_EMBEDDINGS, dtype=jnp.int64) if jax.config.jax_enable_x64 else jax.random.randint(k2, (PATH_LEN,), 0, NUM_EMBEDDINGS, dtype=jnp.int32)
    table = jax.random.normal(k3, (NUM_EMBEDDINGS, EMBED_SIZE), dtype=jnp.float32)
    return {"context_embedding": context_embedding, "input_path_idxs": input_path_idxs, "table": table}


def reference(context_embedding, input_path_idxs, table):
    # input_vectors = self.matrix(input_path_idxs)  -> embedding gather
    input_vectors = jnp.take(table, input_path_idxs, axis=0)  # [L, D]
    # context_embedding = torch.transpose(context_embedding, 1, 0)
    ce = jnp.transpose(context_embedding, (1, 0))  # [D, 1]
    # probs = torch.mm(input_vectors, context_embedding)
    probs = input_vectors @ ce  # [L, 1]
    # probs /= torch.norm(context_embedding)
    probs = probs / jnp.linalg.norm(ce)
    # probs = probs.squeeze(1)
    probs = jnp.squeeze(probs, axis=1)  # [L]
    # probs /= torch.norm(input_vectors, dim=1)
    probs = probs / jnp.linalg.norm(input_vectors, axis=1)
    # probs = (1 + probs) / 2
    probs = (1.0 + probs) / 2.0
    # prob = torch.prod(probs)
    prob = jnp.prod(probs)
    return prob

if __name__ == "__main__":
    import jax
    _d = setup_inputs()
    print(jax.jit(kernel)(*tuple(_d.values())))

</pallas_src>

<mosaic_0001>
#map = affine_map<(d0, d1) -> (0)>
module attributes {stable_mosaic.version = 14 : i64} {
  func.func @_body(%arg0: i32, %arg1: i32, %arg2: memref<20xi32, #tpu.memory_space<hbm>>, %arg3: memref<16xf32, #tpu.memory_space<hbm>>, %arg4: memref<32xi32, #tpu.memory_space<vmem>>, %arg5: memref<16xf32, #tpu.memory_space<vmem>>, %arg6: memref<!tpu.dma_semaphore, #tpu.memory_space<semaphore_mem>>) attributes {dimension_semantics = [#tpu.dimension_semantics<core_parallel>, #tpu.dimension_semantics<subcore_parallel>], iteration_bounds = array<i64: 1, 16>, scalar_prefetch = 0 : i64, scratch_operands = 3 : i64, tpu.core_type = #tpu.core_type<sc_vector_subcore>, window_params = [{transform_indices = #map}, {transform_indices = #map}]} {
    %eq3A = arith.constant 0 : i32
    %eq3A_0 = arith.cmpi eq, %arg0, %eq3A : i32
    %eq3A_1 = arith.constant 0 : i32
    %eq3A_2 = arith.cmpi eq, %arg1, %eq3A_1 : i32
    %and3A = arith.andi %eq3A_0, %eq3A_2 : i1
    %convert_element_type3A = arith.extui %and3A : i1 to i32
    %cond3A = arith.constant 0 : i32
    %cond3A_3 = arith.cmpi ne, %convert_element_type3A, %cond3A : i32
    scf.if %cond3A_3 {
      "tpu.region"() ({
        %run_scoped3A = tpu.sem_alloc : memref<!tpu.dma_semaphore, #tpu.memory_space<semaphore_mem>>
        %dma_start3A = arith.constant 0 : i32
        %dma_start3A_7 = tpu.memref_slice %arg4[%dma_start3A] : memref<32xi32, #tpu.memory_space<vmem>> -> memref<20xi32, #tpu.memory_space<vmem>>
        %dma_start3A_8 = arith.constant 0 : i32
        %dma_start3A_9 = tpu.memref_slice %arg4[%dma_start3A_8] : memref<32xi32, #tpu.memory_space<vmem>> -> memref<20xi32, #tpu.memory_space<vmem>>
        tpu.enqueue_dma source(%arg2 : memref<20xi32, #tpu.memory_space<hbm>>) target(%dma_start3A_9 : memref<20xi32, #tpu.memory_space<vmem>>) target_semaphore(%run_scoped3A : memref<!tpu.dma_semaphore, #tpu.memory_space<semaphore_mem>>)
        %dma_wait3A = arith.constant 0 : i32
        %dma_wait3A_10 = tpu.memref_slice %arg4[%dma_wait3A] : memref<32xi32, #tpu.memory_space<vmem>> -> memref<20xi32, #tpu.memory_space<vmem>>
        %dma_wait3A_11 = arith.constant 0 : i32
        %dma_wait3A_12 = tpu.memref_slice %arg4[%dma_wait3A_11] : memref<32xi32, #tpu.memory_space<vmem>> -> memref<20xi32, #tpu.memory_space<vmem>>
        tpu.wait_dma2 semaphore(%run_scoped3A : memref<!tpu.dma_semaphore, #tpu.memory_space<semaphore_mem>>) src(%arg2 : memref<20xi32, #tpu.memory_space<hbm>>) dst(%dma_wait3A_12 : memref<20xi32, #tpu.memory_space<vmem>>)
        tpu.yield
      }) : () -> ()
      %get3A = arith.constant 0 : index
      %get3A_4 = tpu.vector_load %arg4[%get3A] {strides = array<i32>} : memref<32xi32, #tpu.memory_space<vmem>>, vector<16xi32>,
      %convert_element_type3A_5 = arith.sitofp %get3A_4 : vector<16xi32> to vector<16xf32>
      %swap3A = arith.constant 0 : index
      %swap3A_6 = tpu.vector_load %arg5[%swap3A] {strides = array<i32>} : memref<16xf32, #tpu.memory_space<vmem>>, vector<16xf32>,
      tpu.vector_store %arg5[%swap3A], %convert_element_type3A_5 {strides = array<i32>} : memref<16xf32, #tpu.memory_space<vmem>>, vector<16xf32>,
      "tpu.region"() ({
        %run_scoped3A = tpu.sem_alloc : memref<!tpu.dma_semaphore, #tpu.memory_space<semaphore_mem>>
        tpu.enqueue_dma source(%arg5 : memref<16xf32, #tpu.memory_space<vmem>>) target(%arg3 : memref<16xf32, #tpu.memory_space<hbm>>) target_semaphore(%run_scoped3A : memref<!tpu.dma_semaphore, #tpu.memory_space<semaphore_mem>>)
        tpu.wait_dma2 semaphore(%run_scoped3A : memref<!tpu.dma_semaphore, #tpu.memory_space<semaphore_mem>>) src(%arg5 : memref<16xf32, #tpu.memory_space<vmem>>) dst(%arg3 : memref<16xf32, #tpu.memory_space<hbm>>)
        tpu.yield
      }) : () -> ()
    } else {
    }
    return
  }
}

</mosaic_0001>

<sc_bundles>
// kernel: kernel.3.cloned.1.call-start
scs
__scs_entry_jumppad:
0x0: {  	(pc) =	sbr.rel $0x88, $3  }
0x1: {  	(tag) =	ssettag $0x0;
	lr =	simm.s32 $0x1  }
0x2: {  	[smem:$0x3FA0] =	sst lr;
	_ =	strace $0xD0000000  }
0x3: {  	_ = 	snop  }
0x4: {  	_ = 	snop  }
0x5: {  	_ = 	snop  }
0x6: {  	_ = 	snop  }
0x7: {  	_ = 	snop  }
__scs_overlays_trampoline_lowered:
0x8: {  	[smem:$0x3FAF] =	sst s0  }
0x9: {  	[smem:$0x3FB0] =	sst s1  }
0xa: {  	[smem:$0x3FB1] =	sst s2  }
0xb: {  	[smem:$0x3FB2] =	sst s3  }
0xc: {  	[smem:$0x3FB3] =	sst s4  }
0xd: {  	[smem:$0x3FB4] =	sst s5  }
0xe: {  	[smem:$0x3FB5] =	sst s6  }
0xf: {  	[smem:$0x3FB6] =	sst s7  }
0x10: {  	[smem:$0x3FB7] =	sst s8  }
0x11: {  	[smem:$0x3FB8] =	sst s9;
	s0 =	simm.s32 @!p0 $0x0  }
0x12: {  	s1 =	sld [smem:$0x3F9E];
	s0 =	simm.s32 @p0 $0x1  }
0x13: {  	[smem:$0x3FB9] =	sst s0;
	s0 =	simm.s32 @!p1 $0x0  }
0x14: {  	s2 =	sld [smem:$0x3F9D];
	s0 =	simm.s32 @p1 $0x1  }
0x15: {  	[smem:$0x3FBA] =	sst s0;
	s0 =	simm.s32 @!p2 $0x0  }
0x16: {  	s3 =	sld [smem:$0x3FDB];
	s0 =	simm.s32 @p2 $0x1  }
0x17: {  	s4 =	simm.s32 $0x1BF5;
	[smem:$0x3FBC] =	sst s0  }
0x18: {  	s0 =	sld [smem:$0x3F9F];
	_ =	swait.ge [sflag:s4], $0x0  }
0x19: {  	s7 =	sld [smem:$0x3FA0]  }
0x1a: {  	s8 =	sadd.s32 $0xFFFFE003, lr  }
0x1b: {  	s9 =	sadd.s32 $0xFFFFFEF7, lr;
	s5 =	simm.s32 $0xFFFFFFFF;
	p2 =	slt.u32 s8, $0xFFFFF086  }
0x1c: {  	p1 =	slt.u32 s9, $0xF7A;
	s5 =	simm.s32 @!p2 $0x0  }
0x1d: {  	s5 =	simm.s32 @p1 $0x1;
	p0 =	seq.s32 s7, s2  }
0x1e: {  	s7 =	smul.u32 @!p0 $0xF7A, s2;
	p2 =	seq.s32 @!p0 s5, $0x0  }
0x1f: {  	s9 =	smul.u32 $0xF7A, s1;
	s8 =	simm.s32 @!p0 $0x1BF5;
	p2 =	por !p2, p0  }
0x20: {  	[sflag:s8] =	ssyncset.s32 @!p0 $0xFFFFF086;
	s6 =	sadd.s32 @!p0 s3, s7;
	s7 =	simm.s32 @!p0 $0x108  }
0x21: {  	s3 =	sadd.s32 s3, s9;
	s6 =	sadd.s32 @!p0 $0x88, s6;
	s7 =	simm.s32 @p2 $0x1082  }
0x22: {  	[simem:s7], [sflag:s8] =	dma.local @!p0 [hbm:s6], $0xF7A  }
0x23: {  	s9 =	sor.u32 $0xD0000000, s2;
	s6 =	simm.s32 $0x108;
	_ =	swait.ge @!p0 [sflag:s8], $0x0  }
0x24: {  	s3 =	sadd.s32 $0x88, s3;
	s6 =	simm.s32 @!p1 $0x1082;
	[sflag:s4] =	ssyncset.s32 $0xFFFFF086  }
0x25: {  	[simem:s6], [sflag:s4] =	dma.local [hbm:s3], $0xF7A  }
0x26: {  	[smem:$0x3FA0] =	sst s1;
	(tag) =	ssettag s2;
	_ =	strace s9  }
0x27: {  	s1 =	sld [smem:$0x3FB0]  }
0x28: {  	s2 =	sld [smem:$0x3FB1]  }
0x29: {  	s4 =	sld [smem:$0x3FB3]  }
0x2a: {  	p0 =	seq.s32 s5, $0x0;
	s5 =	sld [smem:$0x3FB4]  }
0x2b: {  	s6 =	sld [smem:$0x3FB5]  }
0x2c: {  	s7 =	sld [smem:$0x3FB6]  }
0x2d: {  	s3 =	simm.s32 $0x108;
	s8 =	sld [smem:$0x3FB7]  }
0x2e: {  	s3 =	simm.s32 @!p0 $0x1082;
	s9 =	sld [smem:$0x3FB8]  }
0x2f: {  	lr =	sadd.s32 s0, s3;
	s0 =	sld [smem:$0x3FAF]  }
0x30: {  	s3 =	sld [smem:$0x3FB2]  }
0x31: {  	[smem:$0x3FBB] =	sst s10  }
0x32: {  	s10 =	sld [smem:$0x3FB9];
	_ =	sdelay $0x3  }
0x33: {  	p0 =	seq.s32 s10, $0x1;
	s10 =	sld [smem:$0x3FBB];
	_ =	sdelay $0x3  }
0x34: {  	[smem:$0x3FBB] =	sst s10  }
0x35: {  	s10 =	sld [smem:$0x3FBA];
	_ =	sdelay $0x3  }
0x36: {  	p1 =	seq.s32 s10, $0x1;
	s10 =	sld [smem:$0x3FBB];
	_ =	sdelay $0x3  }
0x37: {  	[smem:$0x3FBB] =	sst s10  }
0x38: {  	s10 =	sld [smem:$0x3FBC]  }
0x39: {  	_ = 	snop;
	(pc) =	sbr.ind lr, $3  }
0x3a: {  	_ = 	snop  }
0x3b: {  	_ = 	snop  }
0x3c: {  	p2 =	seq.s32 s10, $0x1;
	s10 =	sld [smem:$0x3FBB]  }
0x3d: {  	_ =	shalt  }
0x3e: {  	_ =	shalt  }
0x3f: {  	_ =	shalt  }
0x40: {  	_ =	shalt  }
0x41: {  	_ =	shalt  }
0x42: {  	_ =	shalt  }
0x43: {  	_ =	shalt  }
0x44: {  	_ =	shalt  }
0x45: {  	_ =	shalt  }
0x46: {  	_ =	shalt  }
0x47: {  	_ =	shalt  }
0x48: {  	_ =	shalt  }
0x49: {  	_ =	shalt  }
0x4a: {  	_ =	shalt  }
0x4b: {  	_ =	shalt  }
0x4c: {  	_ =	shalt  }
0x4d: {  	_ =	shalt  }
0x4e: {  	_ =	shalt  }
0x4f: {  	_ =	shalt  }
0x50: {  	_ =	shalt  }
0x51: {  	_ =	shalt  }
0x52: {  	_ =	shalt  }
0x53: {  	_ =	shalt  }
0x54: {  	_ =	shalt  }
0x55: {  	_ =	shalt  }
0x56: {  	_ =	shalt  }
0x57: {  	_ =	shalt  }
0x58: {  	_ =	shalt  }
0x59: {  	_ =	shalt  }
0x5a: {  	_ =	shalt  }
0x5b: {  	_ =	shalt  }
0x5c: {  	_ =	shalt  }
0x5d: {  	_ =	shalt  }
0x5e: {  	_ =	shalt  }
0x5f: {  	_ =	shalt  }
0x60: {  	_ =	shalt  }
0x61: {  	_ =	shalt  }
0x62: {  	_ =	shalt  }
0x63: {  	_ =	shalt  }
0x64: {  	_ =	shalt  }
0x65: {  	_ =	shalt  }
0x66: {  	_ =	shalt  }
0x67: {  	_ =	shalt  }
0x68: {  	_ =	shalt  }
0x69: {  	_ =	shalt  }
0x6a: {  	_ =	shalt  }
0x6b: {  	_ =	shalt  }
0x6c: {  	_ =	shalt  }
0x6d: {  	_ =	shalt  }
0x6e: {  	_ =	shalt  }
0x6f: {  	_ =	shalt  }
0x70: {  	_ =	shalt  }
0x71: {  	_ =	shalt  }
0x72: {  	_ =	shalt  }
0x73: {  	_ =	shalt  }
0x74: {  	_ =	shalt  }
0x75: {  	_ =	shalt  }
0x76: {  	_ =	shalt  }
0x77: {  	_ =	shalt  }
0x78: {  	_ =	shalt  }
0x79: {  	_ =	shalt  }
0x7a: {  	_ =	shalt  }
0x7b: {  	_ =	shalt  }
0x7c: {  	_ =	shalt  }
0x7d: {  	_ =	shalt  }
0x7e: {  	_ =	shalt  }
0x7f: {  	_ =	shalt  }
0x80: {  	_ =	shalt  }
0x81: {  	_ =	shalt  }
0x82: {  	_ =	shalt  }
0x83: {  	_ =	shalt  }
0x84: {  	_ =	shalt  }
0x85: {  	_ =	shalt  }
0x86: {  	_ =	shalt  }
0x87: {  	_ =	shalt  }
.Lfunc_end0:
.L_simem_size_0:
called_computation_lowered:
.L_overlay_start_0:
0x88: {  	s0 =	sld [smem:$0x3FD9]  }
0x89: {  	s1 =	sld [smem:$0x3FFE];
	_ =	sdelay $0x3  }
0x8a: {  	s0 =	sadd.s32 s1, s0  }
0x8b: {  	[smem:$0x3FC7] =	sst s0  }
0x8c: {  	_ = 	snop  }
0x8d: {  	s0 =	sld [smem:$0x3FC9]  }
0x8e: {  	s17 =	sld [smem:$0x3FD0];
	(tm) =	ssettm $0x1  }
0x8f: {  	s2 =	sld [smem:$0x3FFB];
	_ =	sdelay $0x3  }
0x90: {  	_ =	strace s2  }
0x91: {  	s2 =	sld [smem:$0x3FFC];
	_ =	sdelay $0x3  }
0x92: {  	_ =	strace s2  }
0x93: {  	s2 =	sld [smem:$0x3FFD];
	_ =	sdelay $0x3  }
0x94: {  	_ =	strace s2  }
0x95: {  	_ =	strace $0x8FFFFFFF  }
0x96: {  	s18 =	sld [smem:$0x3FDB];
	_ =	sdelay $0x1  }
0x97: {  	s3 =	simm.s32 $_scs_section_size  }
0x98: {  	s4 =	simm.s32 $_size__tile_overlayer_lowered;
	s5 =	simm.s32 $_tile_overlayer_lowered  }
0x99: {  	s21 =	simm.s32 $0x1BFF;
	s20 =	sshll.u32 s5, $0x1;
	s2 =	sadd.s32 s3, s18  }
0x9a: {  	s6 =	simm.s32 $0x0;
	s19 =	sshll.u32 s4, $0x1;
	s4 =	sadd.s32 s20, s2  }
0x9b: {  	[timem:s6], [sflag:s21] =	dma.local [hbm:s4], s19  }
0x9c: {  	_ =	swait.ge [sflag:s21], s19  }
0x9d: {  	s3 =	ssub.s32 $0x0, s19;
	[sflag:s21] =	ssyncset.done $0x0  }
0x9e: {  	[sflag:s21] =	ssyncadd.s32 s3;
	_ =	sdelay $0x1  }
0x9f: {  	s22 =	simm.s32 $0x1B8B  }
0xa0: {  	_ =	swait.ge [sflag:s22], $0x1  }
0xa1: {  	[sflag:s22] =	ssyncset.done $0x0  }
0xa2: {  	s23 =	simm.s32 $0x1B8E;
	[sflag:s22] =	ssyncadd.s32 $0xFFFFFFFF  }
0xa3: {  	s24 =	simm.s32 $execute0_lowered;
	[smem:$0x3FD2] =	sst s23  }
0xa4: {  	s3 =	sshll.u32 s24, $0x1;
	_ =	strace $0x80000046;
	[dreg:$0x1] =	wrdreg $0xFFFFFFFF  }
0xa5: {  	s25 =	simm.s32 $_size_execute0_lowered;
	s2 =	sadd.s32 s2, s3;
	[dreg:$0x0] =	wrdreg $0x0  }
0xa6: {  	s3 =	sshll.u32 s25, $0x1;
	[dreg:$0x2] =	wrdreg s2  }
0xa7: {  	[dreg:$0x3] =	wrdreg s3  }
0xa8: {  	[dreg:$0x4] =	wrdreg $0xC0  }
0xa9: {  	_ =	task [dreg:s6], $0x5FFFF  }
0xaa: {  	[dreg:$0x1] =	wrdreg $0xFFFFFFFF  }
0xab: {  	[dreg:$0x0] =	wrdreg $0x60  }
0xac: {  	[dreg:$0x2] =	wrdreg s0  }
0xad: {  	[dreg:$0x3] =	wrdreg s17  }
0xae: {  	[dreg:$0x4] =	wrdreg $0x9  }
0xaf: {  	_ =	task.clear_ibuf [dreg:s6], $0x5FFFF;
	_ =	strace $0x90000046  }
0xb0: {  	s26 =	simm.s32 $0x9;
	_ =	strace $0x80000048  }
0xb1: {  	_ =	swait.ge [sflag:s26], $0x1  }
0xb2: {  	[sflag:s26] =	ssyncadd.s32 $0xFFFFFFFF  }
0xb3: {  	_ =	strace $0x90000048  }
0xb4: {  	_ =	sfence  }
0xb5: {  	s28 =	sld [smem:$0x0];
	_ =	sdelay $0x1  }
0xb6: {  	s29 =	srdreg.scid  }
0xb7: {  	s30 =	sshll.u32 s29, $0xD;
	s31 =	sshrl.u32 s29, $0x2  }
0xb8: {  	s1 =	sand.u32 $0x1, s29;
	s2 =	sand.u32 $0x4000, s30;
	s0 =	sadd.s32 s31, s28  }
0xb9: {  	s1 =	sor.u32 s2, s1;
	s0 =	sshll.u32 s0, $0x11  }
0xba: {  	s0 =	sor.u32 s0, s1  }
0xbb: {  	s0 =	sadd.s32 $0x8F2B, s0  }
0xbc: {  	[sflag:s0] =	ssyncadd.remote.s32 $0x1  }
0xbd: {  	_ =	sfence.sel $0xFFFF  }
0xbe: {  	[dreg:$0x0] =	wrdreg $0xFFFFFFFF;
	(pc) =	sbr.abs _section_cstart, $3  }
0xbf: {  	[dreg:$0x1] =	wrdreg $0xFFFFFFFF  }
0xc0: {  	_ =	task.clear_ibuf [dreg:s6], $0x2FFFF;
	_ =	strace $0x9FFFFFFF  }
0xc1: {  	(tm) =	ssettm $0x7FFFFFFF  }
tec
execute0_lowered:
.L_overlay_start_1:
0x0: {  	(tag) =	ssettag $0x1  }
0x1: {  	s0 =	rddreg [dreg:$0x0]  }
0x2: {  	s1 =	rddreg [dreg:$0x1];
	s3 =	stileid.u32  }
0x3: {  	s2 =	rddreg [dreg:$0x2];
	_ =	strace $0x80000047;
	p0 =	sne.s32 s3, $0x0  }
0x4: {  	_ =	sfence.sel @p0 $0x180000  }
0x5: {  	[bflag:$0x0] =	sbarrier.arrive @p0 $0xFFFF  }
0x6: {  	_ =	strace @p0 $0x90000047  }
0x7: {  	s3 =	simm.s32 @!p0 $0x0;
	[bflag:$0x2] =	sbarrier.arrive @p0 $0xFFFF  }
0x8: {  	[tilespmem:s3], [sflag:$0x1] =	stream.linear.gather @!p0 [hbm4b:s0+s3], $0x14, $0x38;
	[tilespmem:$0x100] =	vst v63  }
0x9: {  	s0 =	simm.s32 @!p0 $0x1  }
0xa: {  	_ =	swait.ge @!p0 [sflag:s0], $0x14  }
0xb: {  	[sflag:s0] =	ssyncset.done @!p0 $0x0  }
0xc: {  	[sflag:s0] =	ssyncadd.s32 @!p0 $0xFFFFFFEC  }
0xd: {  	v0 =	vld @!p0 [tilespmem:$0x0];
	_ =	sdelay $0x4  }
0xe: {  	v0 =	vcvt.s32.f32 @!p0 v0;
	_ =	sdelay $0x1  }
0xf: {  	s4 =	simm.s32 @!p0 $0x80;
	[tilespmem:$0x80] =	vst @!p0 v0  }
0x10: {  	[hbm4b:s1+s3] =	stream.linear.scatter @!p0 [tilespmem:s4], [sflag:$0x1], $0x80, $0x38;
	[tilespmem:$0x100] =	vst v63  }
0x11: {  	_ =	swait.ge @!p0 [sflag:s0], $0x80  }
0x12: {  	[sflag:s0] =	ssyncset.done @!p0 $0x0  }
0x13: {  	[sflag:s0] =	ssyncadd.s32 @!p0 $0xFFFFFF80  }
0x14: {  	_ =	sfence.sel @!p0 $0x180000  }
0x15: {  	[bflag:$0x0] =	sbarrier.arrive @!p0 $0xFFFF  }
0x16: {  	_ =	strace @!p0 $0x90000047  }
0x17: {  	s0 =	sadd.s32 @!p0 $0x100000, s2;
	[bflag:$0x2] =	sbarrier.arrive @!p0 $0xFFFF  }
0x18: {  	[sflag:s0] =	ssyncadd.tile.s32 @!p0 $0x1;
	_ =	shalt  }
.Lfunc_end2:
_tile_overlayer_lowered:
.L_overlay_start_2:
0x19: {  	(tag) =	ssettag $0x2  }
0x1a: {  	s0 =	rddreg [dreg:$0x0];
	s2 =	stileid.u32  }
0x1b: {  	s1 =	rddreg [dreg:$0x1];
	p0 =	sne.s32 s2, $0x0  }
0x1c: {  	s3 =	rddreg [dreg:$0x2];
	[bflag:$0x3] =	sbarrier.arrive $0xFFFF;
	s2 =	simm.s32 @!p0 $0x1C01  }
0x1d: {  	[timem:s3], [sflag:s2] =	dma.local @!p0 [hbm:s0], s1  }
0x1e: {  	s0 =	simm.s32 @!p0 $0x1  }
0x1f: {  	_ =	swait.ge @!p0 [sflag:s0], s1  }
0x20: {  	s1 =	ssub.s32 @!p0 $0x0, s1;
	[sflag:s0] =	ssyncset.done @!p0 $0x0  }
0x21: {  	[sflag:s0] =	ssyncadd.s32 @!p0 s1  }
0x22: {  	[bflag:$0x3] =	sbarrier.arrive $0xFFFF  }
0x23: {  	_ =	shalt  }

</sc_bundles>
